<compile_context>
chip_gen: v7x
topology: tpu7x:2x2x1
jax: 0.10.2.dev20260603
libtpu: 0.0.44.dev20260713+nightly
codegen_flags: <defaults>
</compile_context>

<pallas_src>
import functools

import jax
import jax.numpy as jnp
from jax import lax
from jax.experimental import pallas as pl
from jax.experimental.pallas import tpu as pltpu
from jax.experimental.pallas import tpu_sc as plsc

NC, NS = 2, 16
NW = NC * NS
L = 16
CB = 2
CW = CB * 128
PER_W = 122
SCALE = 8.0
S = 4096
T = 200
SBLK = S // NW
D = 64


def _t_body(tabT_hbm, tailT_hbm, out_hbm, in_v0, in_v1, ot_v0, ot_v1,
            isem0, isem1, osem0, osem1):
    wid = lax.axis_index("s") * NC + lax.axis_index("c")

    in_vs = (in_v0, in_v1)
    ot_vs = (ot_v0, ot_v1)
    isems = (isem0, isem1)
    osems = (osem0, osem1)

    def fire_read(j0, b):
        for k in range(8):
            pltpu.async_copy(
                tabT_hbm.at[pl.ds(k * 8, 8), pl.ds(j0 * 128, CW)],
                in_vs[b].at[k], isems[b])

    def drain_read(b):
        pltpu.make_async_copy(
            tabT_hbm.at[pl.ds(0, 8), pl.ds(0, CW * 8)],
            in_vs[b], isems[b]).wait()

    def transpose(b):
        iota = lax.iota(jnp.int32, L)

        @pl.loop(0, CW // L)
        def _grp(g):
            lanes = iota + g * L
            base = lanes * 64
            for k in range(8):
                vals = [in_vs[b][k, r, pl.ds(g * L, L)] * SCALE
                        for r in range(8)]
                for r in range(8):
                    plsc.store_scatter(ot_vs[b], [base + 8 * k + r], vals[r])

    def fire_write(j0, b):
        pltpu.async_copy(
            ot_vs[b], out_hbm.at[pl.ds(j0 * 128 * 64, CW * 64)], osems[b])

    def drain_write(b):
        pltpu.make_async_copy(
            out_hbm.at[pl.ds(0, CW * 64)], ot_vs[b], osems[b]).wait()

    def j0_of(c):
        return (wid * PER_W + c) * CB

    fire_read(j0_of(0), 0)

    @pl.loop(0, PER_W // 2)
    def _pair(p):
        c0 = 2 * p

        @pl.when(p > 0)
        def _():
            drain_write(1)
        fire_read(j0_of(c0 + 1), 1)
        drain_read(0)
        transpose(0)
        fire_write(j0_of(c0), 0)

        @pl.when(p + 1 < PER_W // 2)
        def _():
            drain_write(0)
            fire_read(j0_of(c0 + 2), 0)
        drain_read(1)
        transpose(1)
        fire_write(j0_of(c0 + 1), 1)

    drain_write(0)
    drain_write(1)

    @pl.when(wid == 0)
    def _tail():
        @pl.loop(0, 2)
        def _pairblk(i):
            j = 7808 + i * 2
            fire_read(j, 0)
            drain_read(0)
            transpose(0)
            fire_write(j, 0)
            drain_write(0)
        for k in range(8):
            pltpu.async_copy(
                tailT_hbm.at[pl.ds(k * 8, 8), :],
                in_vs[0].at[k, :, pl.ds(0, 128)], isems[0])
        for k in range(8):
            pltpu.make_async_copy(
                tailT_hbm.at[pl.ds(k * 8, 8), :],
                in_vs[0].at[k, :, pl.ds(0, 128)], isems[0]).wait()
        iota = lax.iota(jnp.int32, L)

        @pl.loop(0, 4)
        def _tgrp(g):
            lanes = iota + g * L
            base = lanes * 64
            for k in range(8):
                vals = [in_vs[0][k, r, pl.ds(g * L, L)] * SCALE
                        for r in range(8)]
                for r in range(8):
                    plsc.store_scatter(ot_vs[0], [base + 8 * k + r], vals[r])
        pltpu.async_copy(
            ot_vs[0].at[pl.ds(0, 64 * 64)],
            out_hbm.at[pl.ds(7812 * 128 * 64, 64 * 64)], osems[0])
        pltpu.make_async_copy(
            out_hbm.at[pl.ds(0, 64 * 64)], ot_vs[0].at[pl.ds(0, 64 * 64)],
            osems[0]).wait()


_transpose = functools.partial(
    pl.kernel,
    out_type=jax.ShapeDtypeStruct((64000000,), jnp.float32),
    mesh=plsc.VectorSubcoreMesh(core_axis_name="c", subcore_axis_name="s"),
    scratch_types=[
        pltpu.VMEM((8, 8, CW), jnp.float32),
        pltpu.VMEM((8, 8, CW), jnp.float32),
        pltpu.VMEM((CW * 64,), jnp.float32),
        pltpu.VMEM((CW * 64,), jnp.float32),
        pltpu.SemaphoreType.DMA,
        pltpu.SemaphoreType.DMA,
        pltpu.SemaphoreType.DMA,
        pltpu.SemaphoreType.DMA,
    ],
    compiler_params=pltpu.CompilerParams(needs_layout_passes=False, disable_bounds_checks=True),
)(_t_body)


def _g_body(xt_hbm, tab_hbm, out_hbm, idxs_v, rows_v0, rows_v1,
            gsem0, gsem1, osem0, osem1):
    wid = lax.axis_index("s") * NC + lax.axis_index("c")
    pltpu.sync_copy(xt_hbm.at[:, pl.ds(wid * SBLK, SBLK)], idxs_v)

    rows = (rows_v0, rows_v1)
    gsems = (gsem0, gsem1)
    osems = (osem0, osem1)

    def fire_gather(t, b):
        pltpu.async_copy(tab_hbm.at[idxs_v.at[t]], rows[b], gsems[b])

    def drain_gather(b):
        pltpu.make_async_copy(
            tab_hbm.at[pl.ds(0, SBLK)], rows[b], gsems[b]).wait()

    def fire_out(t, b):
        pltpu.async_copy(
            rows[b],
            out_hbm.at[pl.ds(wid * SBLK, SBLK), t, pl.ds(0, D)],
            osems[b])

    def drain_out(b):
        pltpu.make_async_copy(
            out_hbm.at[pl.ds(0, SBLK), 0, pl.ds(0, D)], rows[b],
            osems[b]).wait()

    def scale(b):
        @pl.loop(0, SBLK)
        def _row(r):
            for j in range(D // L):
                sl = pl.ds(j * L, L)
                rows[b][r, sl] = rows[b][r, sl] * SCALE

    fire_gather(0, 0)

    @pl.loop(0, T // 2)
    def _pair(p):
        t0 = 2 * p

        @pl.when(p > 0)
        def _():
            drain_out(1)
        fire_gather(t0 + 1, 1)
        drain_gather(0)
        scale(0)
        fire_out(t0, 0)

        @pl.when(p + 1 < T // 2)
        def _():
            drain_out(0)
            fire_gather(t0 + 2, 0)
        drain_gather(1)
        scale(1)
        fire_out(t0 + 1, 1)

    drain_out(0)
    drain_out(1)


_gather = functools.partial(
    pl.kernel,
    out_type=jax.ShapeDtypeStruct((S, T, 128), jnp.float32),
    mesh=plsc.VectorSubcoreMesh(core_axis_name="c", subcore_axis_name="s"),
    scratch_types=[
        pltpu.VMEM((T, SBLK), jnp.int32),
        pltpu.VMEM((SBLK, D), jnp.float32),
        pltpu.VMEM((SBLK, D), jnp.float32),
        pltpu.SemaphoreType.DMA,
        pltpu.SemaphoreType.DMA,
        pltpu.SemaphoreType.DMA,
        pltpu.SemaphoreType.DMA,
    ],
    compiler_params=pltpu.CompilerParams(use_tc_tiling_on_sc=False, disable_bounds_checks=True),
)(_g_body)


def kernel(x, table):
    o3 = _gather(x.T, table)
    return o3[:, :, :D]

# --- scband reference (transcript-rebuilt; emitter-appended) ---
"""Pipeline reference for scband-input-embeddings-3530463117816 (READ-ONLY COPY).

The authoritative reference and input builder live on the scoring server;
editing this copy changes nothing except your own understanding.
"""

import jax, jax.numpy as jnp
import numpy as np

D_MODEL = 64
VOCAB = 1000000

def setup_inputs(seed: int = 0) -> dict:
    key = jax.random.key(seed)
    k1, k2 = jax.random.split(key)
    x = jax.random.randint(k1, (4096, 200), 0, VOCAB, dtype=jnp.int64 if jax.config.jax_enable_x64 else jnp.int32)
    table = jax.random.normal(k2, (VOCAB, D_MODEL), dtype=jnp.float32)
    return {"x": x, "table": table}

def reference(x, table):
    # nn.Embedding lookup followed by scaling with sqrt(d_model)
    emb = jnp.take(table, x, axis=0)
    return emb * np.sqrt(D_MODEL).astype(np.float32)

if __name__ == "__main__":
    import jax
    _d = setup_inputs()
    print(jax.jit(kernel)(*tuple(_d.values())))

</pallas_src>

<mosaic_0001>
#map = affine_map<(d0, d1) -> (0, 0)>
#map1 = affine_map<(d0, d1) -> (0, 0, 0)>
module attributes {stable_mosaic.version = 14 : i64} {
  func.func @_g_body(%arg0: i32, %arg1: i32, %arg2: memref<200x4096xi32, #tpu.memory_space<hbm>>, %arg3: memref<1000000x64xf32, #tpu.memory_space<hbm>>, %arg4: memref<4096x200x128xf32, #tpu.memory_space<hbm>>, %arg5: memref<200x128xi32, #tpu.memory_space<vmem>>, %arg6: memref<128x64xf32, #tpu.memory_space<vmem>>, %arg7: memref<128x64xf32, #tpu.memory_space<vmem>>, %arg8: memref<!tpu.dma_semaphore, #tpu.memory_space<semaphore_mem>>, %arg9: memref<!tpu.dma_semaphore, #tpu.memory_space<semaphore_mem>>, %arg10: memref<!tpu.dma_semaphore, #tpu.memory_space<semaphore_mem>>, %arg11: memref<!tpu.dma_semaphore, #tpu.memory_space<semaphore_mem>>) attributes {dimension_semantics = [#tpu.dimension_semantics<core_parallel>, #tpu.dimension_semantics<subcore_parallel>], iteration_bounds = array<i64: 2, 16>, scalar_prefetch = 0 : i64, scratch_operands = 7 : i64, tpu.core_type = #tpu.core_type<sc_vector_subcore>, window_params = [{transform_indices = #map}, {transform_indices = #map}, {transform_indices = #map1}]} {
    %mul3A = arith.constant 2 : i32
    %mul3A_0 = arith.muli %arg1, %mul3A : i32
    %add3A = arith.addi %mul3A_0, %arg0 : i32
    %mul3A_1 = arith.constant 128 : i32
    %mul3A_2 = arith.muli %add3A, %mul3A_1 : i32
    "tpu.region"() ({
      %run_scoped3A = tpu.sem_alloc : memref<!tpu.dma_semaphore, #tpu.memory_space<semaphore_mem>>
      %dma_start3A_30 = arith.constant 0 : i32
      %dma_start3A_31 = tpu.memref_slice %arg2[%dma_start3A_30, %mul3A_2] : memref<200x4096xi32, #tpu.memory_space<hbm>> -> memref<200x128xi32, #tpu.memory_space<hbm>>
      %dma_start3A_32 = arith.constant 0 : i32
      %dma_start3A_33 = tpu.memref_slice %arg2[%dma_start3A_32, %mul3A_2] : memref<200x4096xi32, #tpu.memory_space<hbm>> -> memref<200x128xi32, #tpu.memory_space<hbm>>
      tpu.enqueue_dma source(%dma_start3A_33 : memref<200x128xi32, #tpu.memory_space<hbm>>) target(%arg5 : memref<200x128xi32, #tpu.memory_space<vmem>>) target_semaphore(%run_scoped3A : memref<!tpu.dma_semaphore, #tpu.memory_space<semaphore_mem>>)
      %dma_wait3A_34 = arith.constant 0 : i32
      %dma_wait3A_35 = tpu.memref_slice %arg2[%dma_wait3A_34, %mul3A_2] : memref<200x4096xi32, #tpu.memory_space<hbm>> -> memref<200x128xi32, #tpu.memory_space<hbm>>
      %dma_wait3A_36 = arith.constant 0 : i32
      %dma_wait3A_37 = tpu.memref_slice %arg2[%dma_wait3A_36, %mul3A_2] : memref<200x4096xi32, #tpu.memory_space<hbm>> -> memref<200x128xi32, #tpu.memory_space<hbm>>
      tpu.wait_dma2 semaphore(%run_scoped3A : memref<!tpu.dma_semaphore, #tpu.memory_space<semaphore_mem>>) src(%dma_wait3A_37 : memref<200x128xi32, #tpu.memory_space<hbm>>) dst(%arg5 : memref<200x128xi32, #tpu.memory_space<vmem>>)
      tpu.yield
    }) : () -> ()
    %dma_start3A = arith.constant 0 : i32
    %dma_start3A_3 = arith.constant 0 : i32
    %dma_start3A_4 = tpu.memref_slice %arg5[%dma_start3A, %dma_start3A_3] : memref<200x128xi32, #tpu.memory_space<vmem>> -> memref<1x128xi32, #tpu.memory_space<vmem>>
    %dma_start3A_5 = tpu.memref_squeeze %dma_start3A_4 : memref<1x128xi32, #tpu.memory_space<vmem>> -> memref<128xi32, #tpu.memory_space<vmem>>
    %dma_start3A_6 = arith.constant 0 : i32
    %dma_start3A_7 = arith.constant 0 : i32
    %dma_start3A_8 = tpu.memref_slice %arg3[%dma_start3A_6, %dma_start3A_7] : memref<1000000x64xf32, #tpu.memory_space<hbm>> -> memref<1000000x64xf32, #tpu.memory_space<hbm>>
    tpu.enqueue_indirect_dma source(%dma_start3A_8 : memref<1000000x64xf32, #tpu.memory_space<hbm>>) target(%arg6 : memref<128x64xf32, #tpu.memory_space<vmem>>) offsets(%dma_start3A_5 : memref<128xi32, #tpu.memory_space<vmem>>) semaphore(%arg8 : memref<!tpu.dma_semaphore, #tpu.memory_space<semaphore_mem>>)
    %scan3A = arith.constant 0 : i32
    %scan3A_9 = arith.constant 100 : i32
    %scan3A_10 = arith.addi %scan3A, %scan3A_9 : i32
    %scan3A_11 = arith.constant 1 : i32
    scf.for %scan3A_30 = %scan3A to %scan3A_10 step %scan3A_11  : i32 {
      %mul3A_31 = arith.constant 1 : i32
      %mul3A_32 = arith.muli %scan3A_30, %mul3A_31 : i32
      %add3A_33 = arith.constant 0 : i32
      %add3A_34 = arith.addi %add3A_33, %mul3A_32 : i32
      %mul3A_35 = arith.constant 2 : i32
      %mul3A_36 = arith.muli %mul3A_35, %add3A_34 : i32
      %gt3A = arith.constant 0 : i32
      %gt3A_37 = arith.cmpi sgt, %add3A_34, %gt3A : i32
      %convert_element_type3A = arith.extui %gt3A_37 : i1 to i32
      %cond3A = arith.constant 0 : i32
      %cond3A_38 = arith.cmpi ne, %convert_element_type3A, %cond3A : i32
      scf.if %cond3A_38 {
        %dma_wait3A_93 = arith.constant 0 : i32
        %dma_wait3A_94 = arith.constant 0 : i32
        %dma_wait3A_95 = arith.constant 0 : i32
        %dma_wait3A_96 = tpu.memref_slice %arg4[%dma_wait3A_94, %dma_wait3A_93, %dma_wait3A_95] : memref<4096x200x128xf32, #tpu.memory_space<hbm>> -> memref<128x1x64xf32, #tpu.memory_space<hbm>>
        %dma_wait3A_97 = tpu.memref_squeeze %dma_wait3A_96 : memref<128x1x64xf32, #tpu.memory_space<hbm>> -> memref<128x64xf32, #tpu.memory_space<hbm>>
        %dma_wait3A_98 = arith.constant 0 : i32
        %dma_wait3A_99 = arith.constant 0 : i32
        %dma_wait3A_100 = tpu.memref_slice %arg4[%dma_wait3A_98, %dma_wait3A_93, %dma_wait3A_99] : memref<4096x200x128xf32, #tpu.memory_space<hbm>> -> memref<128x1x64xf32, #tpu.memory_space<hbm>>
        %dma_wait3A_101 = tpu.memref_squeeze %dma_wait3A_100 : memref<128x1x64xf32, #tpu.memory_space<hbm>> -> memref<128x64xf32, #tpu.memory_space<hbm>>
        tpu.wait_dma2 semaphore(%arg11 : memref<!tpu.dma_semaphore, #tpu.memory_space<semaphore_mem>>) src(%dma_wait3A_101 : memref<128x64xf32, #tpu.memory_space<hbm>>) dst(%arg7 : memref<128x64xf32, #tpu.memory_space<vmem>>)
      } else {
      }
      %add3A_39 = arith.constant 1 : i32
      %add3A_40 = arith.addi %mul3A_36, %add3A_39 : i32
      %dma_start3A_41 = arith.constant 0 : i32
      %dma_start3A_42 = tpu.memref_slice %arg5[%add3A_40, %dma_start3A_41] : memref<200x128xi32, #tpu.memory_space<vmem>> -> memref<1x128xi32, #tpu.memory_space<vmem>>
      %dma_start3A_43 = tpu.memref_squeeze %dma_start3A_42 : memref<1x128xi32, #tpu.memory_space<vmem>> -> memref<128xi32, #tpu.memory_space<vmem>>
      %dma_start3A_44 = arith.constant 0 : i32
      %dma_start3A_45 = arith.constant 0 : i32
      %dma_start3A_46 = tpu.memref_slice %arg3[%dma_start3A_44, %dma_start3A_45] : memref<1000000x64xf32, #tpu.memory_space<hbm>> -> memref<1000000x64xf32, #tpu.memory_space<hbm>>
      tpu.enqueue_indirect_dma source(%dma_start3A_46 : memref<1000000x64xf32, #tpu.memory_space<hbm>>) target(%arg7 : memref<128x64xf32, #tpu.memory_space<vmem>>) offsets(%dma_start3A_43 : memref<128xi32, #tpu.memory_space<vmem>>) semaphore(%arg9 : memref<!tpu.dma_semaphore, #tpu.memory_space<semaphore_mem>>)
      %dma_wait3A_47 = arith.constant 0 : i32
      %dma_wait3A_48 = arith.constant 0 : i32
      %dma_wait3A_49 = tpu.memref_slice %arg3[%dma_wait3A_47, %dma_wait3A_48] : memref<1000000x64xf32, #tpu.memory_space<hbm>> -> memref<128x64xf32, #tpu.memory_space<hbm>>
      %dma_wait3A_50 = arith.constant 0 : i32
      %dma_wait3A_51 = arith.constant 0 : i32
      %dma_wait3A_52 = tpu.memref_slice %arg3[%dma_wait3A_50, %dma_wait3A_51] : memref<1000000x64xf32, #tpu.memory_space<hbm>> -> memref<128x64xf32, #tpu.memory_space<hbm>>
      tpu.wait_dma2 semaphore(%arg8 : memref<!tpu.dma_semaphore, #tpu.memory_space<semaphore_mem>>) src(%dma_wait3A_52 : memref<128x64xf32, #tpu.memory_space<hbm>>) dst(%arg6 : memref<128x64xf32, #tpu.memory_space<vmem>>)
      %scan3A_53 = arith.constant 0 : i32
      %scan3A_54 = arith.constant 128 : i32
      %scan3A_55 = arith.addi %scan3A_53, %scan3A_54 : i32
      %scan3A_56 = arith.constant 1 : i32
      scf.for %scan3A_93 = %scan3A_53 to %scan3A_55 step %scan3A_56  : i32 {
        %mul3A_94 = arith.constant 1 : i32
        %mul3A_95 = arith.muli %scan3A_93, %mul3A_94 : i32
        %add3A_96 = arith.constant 0 : i32
        %add3A_97 = arith.addi %add3A_96, %mul3A_95 : i32
        %get3A = arith.index_cast %add3A_97 : i32 to index
        %get3A_98 = arith.constant 0 : index
        %get3A_99 = tpu.vector_load %arg6[%get3A, %get3A_98] {strides = array<i32>} : memref<128x64xf32, #tpu.memory_space<vmem>>, vector<1x16xf32>,
        %get3A_100 = vector.shape_cast %get3A_99 : vector<1x16xf32> to vector<16xf32>
        %mul3A_101 = arith.constant 8.000000e+00 : f32
        %mul3A_102 = vector.broadcast %mul3A_101 : f32 to vector<16xf32>
        %mul3A_103 = arith.mulf %get3A_100, %mul3A_102 : vector<16xf32>
        %swap3A = arith.index_cast %add3A_97 : i32 to index
        %swap3A_104 = arith.constant 0 : index
        %swap3A_105 = tpu.vector_load %arg6[%swap3A, %swap3A_104] {strides = array<i32>} : memref<128x64xf32, #tpu.memory_space<vmem>>, vector<1x16xf32>,
        %swap3A_106 = vector.shape_cast %swap3A_105 : vector<1x16xf32> to vector<16xf32>
        %swap3A_107 = vector.shape_cast %mul3A_103 : vector<16xf32> to vector<1x16xf32>
        tpu.vector_store %arg6[%swap3A, %swap3A_104], %swap3A_107 {strides = array<i32>} : memref<128x64xf32, #tpu.memory_space<vmem>>, vector<1x16xf32>,
        %get3A_108 = arith.index_cast %add3A_97 : i32 to index
        %get3A_109 = arith.constant 16 : index
        %get3A_110 = tpu.vector_load %arg6[%get3A_108, %get3A_109] {strides = array<i32>} : memref<128x64xf32, #tpu.memory_space<vmem>>, vector<1x16xf32>,
        %get3A_111 = vector.shape_cast %get3A_110 : vector<1x16xf32> to vector<16xf32>
        %mul3A_112 = arith.constant 8.000000e+00 : f32
        %mul3A_113 = vector.broadcast %mul3A_112 : f32 to vector<16xf32>
        %mul3A_114 = arith.mulf %get3A_111, %mul3A_113 : vector<16xf32>
        %swap3A_115 = arith.index_cast %add3A_97 : i32 to index
        %swap3A_116 = arith.constant 16 : index
        %swap3A_117 = tpu.vector_load %arg6[%swap3A_115, %swap3A_116] {strides = array<i32>} : memref<128x64xf32, #tpu.memory_space<vmem>>, vector<1x16xf32>,
        %swap3A_118 = vector.shape_cast %swap3A_117 : vector<1x16xf32> to vector<16xf32>
        %swap3A_119 = vector.shape_cast %mul3A_114 : vector<16xf32> to vector<1x16xf32>
        tpu.vector_store %arg6[%swap3A_115, %swap3A_116], %swap3A_119 {strides = array<i32>} : memref<128x64xf32, #tpu.memory_space<vmem>>, vector<1x16xf32>,
        %get3A_120 = arith.index_cast %add3A_97 : i32 to index
        %get3A_121 = arith.constant 32 : index
        %get3A_122 = tpu.vector_load %arg6[%get3A_120, %get3A_121] {strides = array<i32>} : memref<128x64xf32, #tpu.memory_space<vmem>>, vector<1x16xf32>,
        %get3A_123 = vector.shape_cast %get3A_122 : vector<1x16xf32> to vector<16xf32>
        %mul3A_124 = arith.constant 8.000000e+00 : f32
        %mul3A_125 = vector.broadcast %mul3A_124 : f32 to vector<16xf32>
        %mul3A_126 = arith.mulf %get3A_123, %mul3A_125 : vector<16xf32>
        %swap3A_127 = arith.index_cast %add3A_97 : i32 to index
        %swap3A_128 = arith.constant 32 : index
        %swap3A_129 = tpu.vector_load %arg6[%swap3A_127, %swap3A_128] {strides = array<i32>} : memref<128x64xf32, #tpu.memory_space<vmem>>, vector<1x16xf32>,
        %swap3A_130 = vector.shape_cast %swap3A_129 : vector<1x16xf32> to vector<16xf32>
        %swap3A_131 = vector.shape_cast %mul3A_126 : vector<16xf32> to vector<1x16xf32>
        tpu.vector_store %arg6[%swap3A_127, %swap3A_128], %swap3A_131 {strides = array<i32>} : memref<128x64xf32, #tpu.memory_space<vmem>>, vector<1x16xf32>,
        %get3A_132 = arith.index_cast %add3A_97 : i32 to index
        %get3A_133 = arith.constant 48 : index
        %get3A_134 = tpu.vector_load %arg6[%get3A_132, %get3A_133] {strides = array<i32>} : memref<128x64xf32, #tpu.memory_space<vmem>>, vector<1x16xf32>,
        %get3A_135 = vector.shape_cast %get3A_134 : vector<1x16xf32> to vector<16xf32>
        %mul3A_136 = arith.constant 8.000000e+00 : f32
        %mul3A_137 = vector.broadcast %mul3A_136 : f32 to vector<16xf32>
        %mul3A_138 = arith.mulf %get3A_135, %mul3A_137 : vector<16xf32>
        %swap3A_139 = arith.index_cast %add3A_97 : i32 to index
        %swap3A_140 = arith.constant 48 : index
        %swap3A_141 = tpu.vector_load %arg6[%swap3A_139, %swap3A_140] {strides = array<i32>} : memref<128x64xf32, #tpu.memory_space<vmem>>, vector<1x16xf32>,
        %swap3A_142 = vector.shape_cast %swap3A_141 : vector<1x16xf32> to vector<16xf32>
        %swap3A_143 = vector.shape_cast %mul3A_138 : vector<16xf32> to vector<1x16xf32>
        tpu.vector_store %arg6[%swap3A_139, %swap3A_140], %swap3A_143 {strides = array<i32>} : memref<128x64xf32, #tpu.memory_space<vmem>>, vector<1x16xf32>,
      }
      %scan3A_57 = arith.constant 128 : i32
      %mul3A_58 = arith.constant 128 : i32
      %mul3A_59 = arith.muli %add3A, %mul3A_58 : i32
      %dma_start3A_60 = arith.constant 0 : i32
      %dma_start3A_61 = tpu.memref_slice %arg4[%mul3A_59, %mul3A_36, %dma_start3A_60] : memref<4096x200x128xf32, #tpu.memory_space<hbm>> -> memref<128x1x64xf32, #tpu.memory_space<hbm>>
      %dma_start3A_62 = tpu.memref_squeeze %dma_start3A_61 : memref<128x1x64xf32, #tpu.memory_space<hbm>> -> memref<128x64xf32, #tpu.memory_space<hbm>>
      %dma_start3A_63 = arith.constant 0 : i32
      %dma_start3A_64 = tpu.memref_slice %arg4[%mul3A_59, %mul3A_36, %dma_start3A_63] : memref<4096x200x128xf32, #tpu.memory_space<hbm>> -> memref<128x1x64xf32, #tpu.memory_space<hbm>>
      %dma_start3A_65 = tpu.memref_squeeze %dma_start3A_64 : memref<128x1x64xf32, #tpu.memory_space<hbm>> -> memref<128x64xf32, #tpu.memory_space<hbm>>
      tpu.enqueue_dma source(%arg6 : memref<128x64xf32, #tpu.memory_space<vmem>>) target(%dma_start3A_65 : memref<128x64xf32, #tpu.memory_space<hbm>>) target_semaphore(%arg10 : memref<!tpu.dma_semaphore, #tpu.memory_space<semaphore_mem>>)
      %add3A_66 = arith.constant 1 : i32
      %add3A_67 = arith.addi %add3A_34, %add3A_66 : i32
      %lt3A = arith.constant 100 : i32
      %lt3A_68 = arith.cmpi slt, %add3A_67, %lt3A : i32
      %convert_element_type3A_69 = arith.extui %lt3A_68 : i1 to i32
      %cond3A_70 = arith.constant 0 : i32
      %cond3A_71 = arith.cmpi ne, %convert_element_type3A_69, %cond3A_70 : i32
      scf.if %cond3A_71 {
        %dma_wait3A_93 = arith.constant 0 : i32
        %dma_wait3A_94 = arith.constant 0 : i32
        %dma_wait3A_95 = arith.constant 0 : i32
        %dma_wait3A_96 = tpu.memref_slice %arg4[%dma_wait3A_94, %dma_wait3A_93, %dma_wait3A_95] : memref<4096x200x128xf32, #tpu.memory_space<hbm>> -> memref<128x1x64xf32, #tpu.memory_space<hbm>>
        %dma_wait3A_97 = tpu.memref_squeeze %dma_wait3A_96 : memref<128x1x64xf32, #tpu.memory_space<hbm>> -> memref<128x64xf32, #tpu.memory_space<hbm>>
        %dma_wait3A_98 = arith.constant 0 : i32
        %dma_wait3A_99 = arith.constant 0 : i32
        %dma_wait3A_100 = tpu.memref_slice %arg4[%dma_wait3A_98, %dma_wait3A_93, %dma_wait3A_99] : memref<4096x200x128xf32, #tpu.memory_space<hbm>> -> memref<128x1x64xf32, #tpu.memory_space<hbm>>
        %dma_wait3A_101 = tpu.memref_squeeze %dma_wait3A_100 : memref<128x1x64xf32, #tpu.memory_space<hbm>> -> memref<128x64xf32, #tpu.memory_space<hbm>>
        tpu.wait_dma2 semaphore(%arg10 : memref<!tpu.dma_semaphore, #tpu.memory_space<semaphore_mem>>) src(%dma_wait3A_101 : memref<128x64xf32, #tpu.memory_space<hbm>>) dst(%arg6 : memref<128x64xf32, #tpu.memory_space<vmem>>)
        %add3A_102 = arith.constant 2 : i32
        %add3A_103 = arith.addi %mul3A_36, %add3A_102 : i32
        %dma_start3A_104 = arith.constant 0 : i32
        %dma_start3A_105 = tpu.memref_slice %arg5[%add3A_103, %dma_start3A_104] : memref<200x128xi32, #tpu.memory_space<vmem>> -> memref<1x128xi32, #tpu.memory_space<vmem>>
        %dma_start3A_106 = tpu.memref_squeeze %dma_start3A_105 : memref<1x128xi32, #tpu.memory_space<vmem>> -> memref<128xi32, #tpu.memory_space<vmem>>
        %dma_start3A_107 = arith.constant 0 : i32
        %dma_start3A_108 = arith.constant 0 : i32
        %dma_start3A_109 = tpu.memref_slice %arg3[%dma_start3A_107, %dma_start3A_108] : memref<1000000x64xf32, #tpu.memory_space<hbm>> -> memref<1000000x64xf32, #tpu.memory_space<hbm>>
        tpu.enqueue_indirect_dma source(%dma_start3A_109 : memref<1000000x64xf32, #tpu.memory_space<hbm>>) target(%arg6 : memref<128x64xf32, #tpu.memory_space<vmem>>) offsets(%dma_start3A_106 : memref<128xi32, #tpu.memory_space<vmem>>) semaphore(%arg8 : memref<!tpu.dma_semaphore, #tpu.memory_space<semaphore_mem>>)
      } else {
      }
      %dma_wait3A_72 = arith.constant 0 : i32
      %dma_wait3A_73 = arith.constant 0 : i32
      %dma_wait3A_74 = tpu.memref_slice %arg3[%dma_wait3A_72, %dma_wait3A_73] : memref<1000000x64xf32, #tpu.memory_space<hbm>> -> memref<128x64xf32, #tpu.memory_space<hbm>>
      %dma_wait3A_75 = arith.constant 0 : i32
      %dma_wait3A_76 = arith.constant 0 : i32
      %dma_wait3A_77 = tpu.memref_slice %arg3[%dma_wait3A_75, %dma_wait3A_76] : memref<1000000x64xf32, #tpu.memory_space<hbm>> -> memref<128x64xf32, #tpu.memory_space<hbm>>
      tpu.wait_dma2 semaphore(%arg9 : memref<!tpu.dma_semaphore, #tpu.memory_space<semaphore_mem>>) src(%dma_wait3A_77 : memref<128x64xf32, #tpu.memory_space<hbm>>) dst(%arg7 : memref<128x64xf32, #tpu.memory_space<vmem>>)
      %scan3A_78 = arith.constant 0 : i32
      %scan3A_79 = arith.constant 128 : i32
      %scan3A_80 = arith.addi %scan3A_78, %scan3A_79 : i32
      %scan3A_81 = arith.constant 1 : i32
      scf.for %scan3A_93 = %scan3A_78 to %scan3A_80 step %scan3A_81  : i32 {
        %mul3A_94 = arith.constant 1 : i32
        %mul3A_95 = arith.muli %scan3A_93, %mul3A_94 : i32
        %add3A_96 = arith.constant 0 : i32
        %add3A_97 = arith.addi %add3A_96, %mul3A_95 : i32
        %get3A = arith.index_cast %add3A_97 : i32 to index
        %get3A_98 = arith.constant 0 : index
        %get3A_99 = tpu.vector_load %arg7[%get3A, %get3A_98] {strides = array<i32>} : memref<128x64xf32, #tpu.memory_space<vmem>>, vector<1x16xf32>,
        %get3A_100 = vector.shape_cast %get3A_99 : vector<1x16xf32> to vector<16xf32>
        %mul3A_101 = arith.constant 8.000000e+00 : f32
        %mul3A_102 = vector.broadcast %mul3A_101 : f32 to vector<16xf32>
        %mul3A_103 = arith.mulf %get3A_100, %mul3A_102 : vector<16xf32>
        %swap3A = arith.index_cast %add3A_97 : i32 to index
        %swap3A_104 = arith.constant 0 : index
        %swap3A_105 = tpu.vector_load %arg7[%swap3A, %swap3A_104] {strides = array<i32>} : memref<128x64xf32, #tpu.memory_space<vmem>>, vector<1x16xf32>,
        %swap3A_106 = vector.shape_cast %swap3A_105 : vector<1x16xf32> to vector<16xf32>
        %swap3A_107 = vector.shape_cast %mul3A_103 : vector<16xf32> to vector<1x16xf32>
        tpu.vector_store %arg7[%swap3A, %swap3A_104], %swap3A_107 {strides = array<i32>} : memref<128x64xf32, #tpu.memory_space<vmem>>, vector<1x16xf32>,
        %get3A_108 = arith.index_cast %add3A_97 : i32 to index
        %get3A_109 = arith.constant 16 : index
        %get3A_110 = tpu.vector_load %arg7[%get3A_108, %get3A_109] {strides = array<i32>} : memref<128x64xf32, #tpu.memory_space<vmem>>, vector<1x16xf32>,
        %get3A_111 = vector.shape_cast %get3A_110 : vector<1x16xf32> to vector<16xf32>
        %mul3A_112 = arith.constant 8.000000e+00 : f32
        %mul3A_113 = vector.broadcast %mul3A_112 : f32 to vector<16xf32>
        %mul3A_114 = arith.mulf %get3A_111, %mul3A_113 : vector<16xf32>
        %swap3A_115 = arith.index_cast %add3A_97 : i32 to index
        %swap3A_116 = arith.constant 16 : index
        %swap3A_117 = tpu.vector_load %arg7[%swap3A_115, %swap3A_116] {strides = array<i32>} : memref<128x64xf32, #tpu.memory_space<vmem>>, vector<1x16xf32>,
        %swap3A_118 = vector.shape_cast %swap3A_117 : vector<1x16xf32> to vector<16xf32>
        %swap3A_119 = vector.shape_cast %mul3A_114 : vector<16xf32> to vector<1x16xf32>
        tpu.vector_store %arg7[%swap3A_115, %swap3A_116], %swap3A_119 {strides = array<i32>} : memref<128x64xf32, #tpu.memory_space<vmem>>, vector<1x16xf32>,
        %get3A_120 = arith.index_cast %add3A_97 : i32 to index
        %get3A_121 = arith.constant 32 : index
        %get3A_122 = tpu.vector_load %arg7[%get3A_120, %get3A_121] {strides = array<i32>} : memref<128x64xf32, #tpu.memory_space<vmem>>, vector<1x16xf32>,
        %get3A_123 = vector.shape_cast %get3A_122 : vector<1x16xf32> to vector<16xf32>
        %mul3A_124 = arith.constant 8.000000e+00 : f32
        %mul3A_125 = vector.broadcast %mul3A_124 : f32 to vector<16xf32>
        %mul3A_126 = arith.mulf %get3A_123, %mul3A_125 : vector<16xf32>
        %swap3A_127 = arith.index_cast %add3A_97 : i32 to index
        %swap3A_128 = arith.constant 32 : index
        %swap3A_129 = tpu.vector_load %arg7[%swap3A_127, %swap3A_128] {strides = array<i32>} : memref<128x64xf32, #tpu.memory_space<vmem>>, vector<1x16xf32>,
        %swap3A_130 = vector.shape_cast %swap3A_129 : vector<1x16xf32> to vector<16xf32>
        %swap3A_131 = vector.shape_cast %mul3A_126 : vector<16xf32> to vector<1x16xf32>
        tpu.vector_store %arg7[%swap3A_127, %swap3A_128], %swap3A_131 {strides = array<i32>} : memref<128x64xf32, #tpu.memory_space<vmem>>, vector<1x16xf32>,
        %get3A_132 = arith.index_cast %add3A_97 : i32 to index
        %get3A_133 = arith.constant 48 : index
        %get3A_134 = tpu.vector_load %arg7[%get3A_132, %get3A_133] {strides = array<i32>} : memref<128x64xf32, #tpu.memory_space<vmem>>, vector<1x16xf32>,
        %get3A_135 = vector.shape_cast %get3A_134 : vector<1x16xf32> to vector<16xf32>
        %mul3A_136 = arith.constant 8.000000e+00 : f32
        %mul3A_137 = vector.broadcast %mul3A_136 : f32 to vector<16xf32>
        %mul3A_138 = arith.mulf %get3A_135, %mul3A_137 : vector<16xf32>
        %swap3A_139 = arith.index_cast %add3A_97 : i32 to index
        %swap3A_140 = arith.constant 48 : index
        %swap3A_141 = tpu.vector_load %arg7[%swap3A_139, %swap3A_140] {strides = array<i32>} : memref<128x64xf32, #tpu.memory_space<vmem>>, vector<1x16xf32>,
        %swap3A_142 = vector.shape_cast %swap3A_141 : vector<1x16xf32> to vector<16xf32>
        %swap3A_143 = vector.shape_cast %mul3A_138 : vector<16xf32> to vector<1x16xf32>
        tpu.vector_store %arg7[%swap3A_139, %swap3A_140], %swap3A_143 {strides = array<i32>} : memref<128x64xf32, #tpu.memory_space<vmem>>, vector<1x16xf32>,
      }
      %scan3A_82 = arith.constant 128 : i32
      %add3A_83 = arith.constant 1 : i32
      %add3A_84 = arith.addi %mul3A_36, %add3A_83 : i32
      %mul3A_85 = arith.constant 128 : i32
      %mul3A_86 = arith.muli %add3A, %mul3A_85 : i32
      %dma_start3A_87 = arith.constant 0 : i32
      %dma_start3A_88 = tpu.memref_slice %arg4[%mul3A_86, %add3A_84, %dma_start3A_87] : memref<4096x200x128xf32, #tpu.memory_space<hbm>> -> memref<128x1x64xf32, #tpu.memory_space<hbm>>
      %dma_start3A_89 = tpu.memref_squeeze %dma_start3A_88 : memref<128x1x64xf32, #tpu.memory_space<hbm>> -> memref<128x64xf32, #tpu.memory_space<hbm>>
      %dma_start3A_90 = arith.constant 0 : i32
      %dma_start3A_91 = tpu.memref_slice %arg4[%mul3A_86, %add3A_84, %dma_start3A_90] : memref<4096x200x128xf32, #tpu.memory_space<hbm>> -> memref<128x1x64xf32, #tpu.memory_space<hbm>>
      %dma_start3A_92 = tpu.memref_squeeze %dma_start3A_91 : memref<128x1x64xf32, #tpu.memory_space<hbm>> -> memref<128x64xf32, #tpu.memory_space<hbm>>
      tpu.enqueue_dma source(%arg7 : memref<128x64xf32, #tpu.memory_space<vmem>>) target(%dma_start3A_92 : memref<128x64xf32, #tpu.memory_space<hbm>>) target_semaphore(%arg11 : memref<!tpu.dma_semaphore, #tpu.memory_space<semaphore_mem>>)
    }
    %scan3A_12 = arith.constant 100 : i32
    %dma_wait3A = arith.constant 0 : i32
    %dma_wait3A_13 = arith.constant 0 : i32
    %dma_wait3A_14 = arith.constant 0 : i32
    %dma_wait3A_15 = tpu.memref_slice %arg4[%dma_wait3A_13, %dma_wait3A, %dma_wait3A_14] : memref<4096x200x128xf32, #tpu.memory_space<hbm>> -> memref<128x1x64xf32, #tpu.memory_space<hbm>>
    %dma_wait3A_16 = tpu.memref_squeeze %dma_wait3A_15 : memref<128x1x64xf32, #tpu.memory_space<hbm>> -> memref<128x64xf32, #tpu.memory_space<hbm>>
    %dma_wait3A_17 = arith.constant 0 : i32
    %dma_wait3A_18 = arith.constant 0 : i32
    %dma_wait3A_19 = tpu.memref_slice %arg4[%dma_wait3A_17, %dma_wait3A, %dma_wait3A_18] : memref<4096x200x128xf32, #tpu.memory_space<hbm>> -> memref<128x1x64xf32, #tpu.memory_space<hbm>>
    %dma_wait3A_20 = tpu.memref_squeeze %dma_wait3A_19 : memref<128x1x64xf32, #tpu.memory_space<hbm>> -> memref<128x64xf32, #tpu.memory_space<hbm>>
    tpu.wait_dma2 semaphore(%arg10 : memref<!tpu.dma_semaphore, #tpu.memory_space<semaphore_mem>>) src(%dma_wait3A_20 : memref<128x64xf32, #tpu.memory_space<hbm>>) dst(%arg6 : memref<128x64xf32, #tpu.memory_space<vmem>>)
    %dma_wait3A_21 = arith.constant 0 : i32
    %dma_wait3A_22 = arith.constant 0 : i32
    %dma_wait3A_23 = arith.constant 0 : i32
    %dma_wait3A_24 = tpu.memref_slice %arg4[%dma_wait3A_22, %dma_wait3A_21, %dma_wait3A_23] : memref<4096x200x128xf32, #tpu.memory_space<hbm>> -> memref<128x1x64xf32, #tpu.memory_space<hbm>>
    %dma_wait3A_25 = tpu.memref_squeeze %dma_wait3A_24 : memref<128x1x64xf32, #tpu.memory_space<hbm>> -> memref<128x64xf32, #tpu.memory_space<hbm>>
    %dma_wait3A_26 = arith.constant 0 : i32
    %dma_wait3A_27 = arith.constant 0 : i32
    %dma_wait3A_28 = tpu.memref_slice %arg4[%dma_wait3A_26, %dma_wait3A_21, %dma_wait3A_27] : memref<4096x200x128xf32, #tpu.memory_space<hbm>> -> memref<128x1x64xf32, #tpu.memory_space<hbm>>
    %dma_wait3A_29 = tpu.memref_squeeze %dma_wait3A_28 : memref<128x1x64xf32, #tpu.memory_space<hbm>> -> memref<128x64xf32, #tpu.memory_space<hbm>>
    tpu.wait_dma2 semaphore(%arg11 : memref<!tpu.dma_semaphore, #tpu.memory_space<semaphore_mem>>) src(%dma_wait3A_29 : memref<128x64xf32, #tpu.memory_space<hbm>>) dst(%arg7 : memref<128x64xf32, #tpu.memory_space<vmem>>)
    return
  }
}

</mosaic_0001>

<sc_bundles>
// kernel: kernel.3.cloned.1.call-start
scs
__scs_entry_jumppad:
0x0: {  	(pc) =	sbr.rel $0x88, $3  }
0x1: {  	(tag) =	ssettag $0x0;
	lr =	simm.s32 $0x1  }
0x2: {  	[smem:$0x3F9F] =	sst lr;
	_ =	strace $0xD0000000  }
0x3: {  	_ = 	snop  }
0x4: {  	_ = 	snop  }
0x5: {  	_ = 	snop  }
0x6: {  	_ = 	snop  }
0x7: {  	_ = 	snop  }
__scs_overlays_trampoline_lowered:
0x8: {  	[smem:$0x3FAE] =	sst s0  }
0x9: {  	[smem:$0x3FAF] =	sst s1  }
0xa: {  	[smem:$0x3FB0] =	sst s2  }
0xb: {  	[smem:$0x3FB1] =	sst s3  }
0xc: {  	[smem:$0x3FB2] =	sst s4  }
0xd: {  	[smem:$0x3FB3] =	sst s5  }
0xe: {  	[smem:$0x3FB4] =	sst s6  }
0xf: {  	[smem:$0x3FB5] =	sst s7  }
0x10: {  	[smem:$0x3FB6] =	sst s8  }
0x11: {  	[smem:$0x3FB7] =	sst s9;
	s0 =	simm.s32 @!p0 $0x0  }
0x12: {  	s1 =	sld [smem:$0x3F9D];
	s0 =	simm.s32 @p0 $0x1  }
0x13: {  	[smem:$0x3FB8] =	sst s0;
	s0 =	simm.s32 @!p1 $0x0  }
0x14: {  	s2 =	sld [smem:$0x3F9C];
	s0 =	simm.s32 @p1 $0x1  }
0x15: {  	[smem:$0x3FB9] =	sst s0;
	s0 =	simm.s32 @!p2 $0x0  }
0x16: {  	s3 =	sld [smem:$0x3FDB];
	s0 =	simm.s32 @p2 $0x1  }
0x17: {  	s4 =	simm.s32 $0x1BF5;
	[smem:$0x3FBB] =	sst s0  }
0x18: {  	s0 =	sld [smem:$0x3F9E];
	_ =	swait.ge [sflag:s4], $0x0  }
0x19: {  	s7 =	sld [smem:$0x3F9F]  }
0x1a: {  	s8 =	sadd.s32 $0xFFFFE003, lr  }
0x1b: {  	s9 =	sadd.s32 $0xFFFFFEF7, lr;
	s5 =	simm.s32 $0xFFFFFFFF;
	p2 =	slt.u32 s8, $0xFFFFF086  }
0x1c: {  	p1 =	slt.u32 s9, $0xF7A;
	s5 =	simm.s32 @!p2 $0x0  }
0x1d: {  	s5 =	simm.s32 @p1 $0x1;
	p0 =	seq.s32 s7, s2  }
0x1e: {  	s7 =	smul.u32 @!p0 $0xF7A, s2;
	p2 =	seq.s32 @!p0 s5, $0x0  }
0x1f: {  	s9 =	smul.u32 $0xF7A, s1;
	s8 =	simm.s32 @!p0 $0x1BF5;
	p2 =	por !p2, p0  }
0x20: {  	[sflag:s8] =	ssyncset.s32 @!p0 $0xFFFFF086;
	s6 =	sadd.s32 @!p0 s3, s7;
	s7 =	simm.s32 @!p0 $0x108  }
0x21: {  	s3 =	sadd.s32 s3, s9;
	s6 =	sadd.s32 @!p0 $0x88, s6;
	s7 =	simm.s32 @p2 $0x1082  }
0x22: {  	[simem:s7], [sflag:s8] =	dma.local @!p0 [hbm:s6], $0xF7A  }
0x23: {  	s9 =	sor.u32 $0xD0000000, s2;
	s6 =	simm.s32 $0x108;
	_ =	swait.ge @!p0 [sflag:s8], $0x0  }
0x24: {  	s3 =	sadd.s32 $0x88, s3;
	s6 =	simm.s32 @!p1 $0x1082;
	[sflag:s4] =	ssyncset.s32 $0xFFFFF086  }
0x25: {  	[simem:s6], [sflag:s4] =	dma.local [hbm:s3], $0xF7A  }
0x26: {  	[smem:$0x3F9F] =	sst s1;
	(tag) =	ssettag s2;
	_ =	strace s9  }
0x27: {  	s1 =	sld [smem:$0x3FAF]  }
0x28: {  	s2 =	sld [smem:$0x3FB0]  }
0x29: {  	s4 =	sld [smem:$0x3FB2]  }
0x2a: {  	p0 =	seq.s32 s5, $0x0;
	s5 =	sld [smem:$0x3FB3]  }
0x2b: {  	s6 =	sld [smem:$0x3FB4]  }
0x2c: {  	s7 =	sld [smem:$0x3FB5]  }
0x2d: {  	s3 =	simm.s32 $0x108;
	s8 =	sld [smem:$0x3FB6]  }
0x2e: {  	s3 =	simm.s32 @!p0 $0x1082;
	s9 =	sld [smem:$0x3FB7]  }
0x2f: {  	lr =	sadd.s32 s0, s3;
	s0 =	sld [smem:$0x3FAE]  }
0x30: {  	s3 =	sld [smem:$0x3FB1]  }
0x31: {  	[smem:$0x3FBA] =	sst s10  }
0x32: {  	s10 =	sld [smem:$0x3FB8];
	_ =	sdelay $0x3  }
0x33: {  	p0 =	seq.s32 s10, $0x1;
	s10 =	sld [smem:$0x3FBA];
	_ =	sdelay $0x3  }
0x34: {  	[smem:$0x3FBA] =	sst s10  }
0x35: {  	s10 =	sld [smem:$0x3FB9];
	_ =	sdelay $0x3  }
0x36: {  	p1 =	seq.s32 s10, $0x1;
	s10 =	sld [smem:$0x3FBA];
	_ =	sdelay $0x3  }
0x37: {  	[smem:$0x3FBA] =	sst s10  }
0x38: {  	s10 =	sld [smem:$0x3FBB]  }
0x39: {  	_ = 	snop;
	(pc) =	sbr.ind lr, $3  }
0x3a: {  	_ = 	snop  }
0x3b: {  	_ = 	snop  }
0x3c: {  	p2 =	seq.s32 s10, $0x1;
	s10 =	sld [smem:$0x3FBA]  }
0x3d: {  	_ =	shalt  }
0x3e: {  	_ =	shalt  }
0x3f: {  	_ =	shalt  }
0x40: {  	_ =	shalt  }
0x41: {  	_ =	shalt  }
0x42: {  	_ =	shalt  }
0x43: {  	_ =	shalt  }
0x44: {  	_ =	shalt  }
0x45: {  	_ =	shalt  }
0x46: {  	_ =	shalt  }
0x47: {  	_ =	shalt  }
0x48: {  	_ =	shalt  }
0x49: {  	_ =	shalt  }
0x4a: {  	_ =	shalt  }
0x4b: {  	_ =	shalt  }
0x4c: {  	_ =	shalt  }
0x4d: {  	_ =	shalt  }
0x4e: {  	_ =	shalt  }
0x4f: {  	_ =	shalt  }
0x50: {  	_ =	shalt  }
0x51: {  	_ =	shalt  }
0x52: {  	_ =	shalt  }
0x53: {  	_ =	shalt  }
0x54: {  	_ =	shalt  }
0x55: {  	_ =	shalt  }
0x56: {  	_ =	shalt  }
0x57: {  	_ =	shalt  }
0x58: {  	_ =	shalt  }
0x59: {  	_ =	shalt  }
0x5a: {  	_ =	shalt  }
0x5b: {  	_ =	shalt  }
0x5c: {  	_ =	shalt  }
0x5d: {  	_ =	shalt  }
0x5e: {  	_ =	shalt  }
0x5f: {  	_ =	shalt  }
0x60: {  	_ =	shalt  }
0x61: {  	_ =	shalt  }
0x62: {  	_ =	shalt  }
0x63: {  	_ =	shalt  }
0x64: {  	_ =	shalt  }
0x65: {  	_ =	shalt  }
0x66: {  	_ =	shalt  }
0x67: {  	_ =	shalt  }
0x68: {  	_ =	shalt  }
0x69: {  	_ =	shalt  }
0x6a: {  	_ =	shalt  }
0x6b: {  	_ =	shalt  }
0x6c: {  	_ =	shalt  }
0x6d: {  	_ =	shalt  }
0x6e: {  	_ =	shalt  }
0x6f: {  	_ =	shalt  }
0x70: {  	_ =	shalt  }
0x71: {  	_ =	shalt  }
0x72: {  	_ =	shalt  }
0x73: {  	_ =	shalt  }
0x74: {  	_ =	shalt  }
0x75: {  	_ =	shalt  }
0x76: {  	_ =	shalt  }
0x77: {  	_ =	shalt  }
0x78: {  	_ =	shalt  }
0x79: {  	_ =	shalt  }
0x7a: {  	_ =	shalt  }
0x7b: {  	_ =	shalt  }
0x7c: {  	_ =	shalt  }
0x7d: {  	_ =	shalt  }
0x7e: {  	_ =	shalt  }
0x7f: {  	_ =	shalt  }
0x80: {  	_ =	shalt  }
0x81: {  	_ =	shalt  }
0x82: {  	_ =	shalt  }
0x83: {  	_ =	shalt  }
0x84: {  	_ =	shalt  }
0x85: {  	_ =	shalt  }
0x86: {  	_ =	shalt  }
0x87: {  	_ =	shalt  }
.Lfunc_end0:
.L_simem_size_0:
called_computation.1_lowered:
.L_overlay_start_0:
0x88: {  	s2 =	sld [smem:$0x3FD9]  }
0x89: {  	s3 =	sld [smem:$0x3FFE];
	_ =	sdelay $0x1  }
0x8a: {  	s1 =	srdreg.scid  }
0x8b: {  	s0 =	sand.u32 $0x1, s1  }
0x8c: {  	s17 =	sshll.u32 s0, $0xA;
	s2 =	sadd.s32 s3, s2  }
0x8d: {  	s2 =	sadd.s32 s2, s17  }
0x8e: {  	[smem:$0x3FC6] =	sst s2  }
0x8f: {  	_ = 	snop  }
0x90: {  	s2 =	sld [smem:$0x3FD0];
	(tm) =	ssettm $0x1  }
0x91: {  	s18 =	sld [smem:$0x3FFB];
	_ =	sdelay $0x3  }
0x92: {  	_ =	strace s18  }
0x93: {  	s3 =	sld [smem:$0x3FFC];
	_ =	sdelay $0x3  }
0x94: {  	_ =	strace s3  }
0x95: {  	s3 =	sld [smem:$0x3FFD];
	_ =	sdelay $0x3  }
0x96: {  	_ =	strace s3  }
0x97: {  	_ =	strace $0x8FFFFFFF  }
0x98: {  	s19 =	sld [smem:$0x3FDB];
	_ =	sdelay $0x1  }
0x99: {  	s4 =	simm.s32 $_scs_section_size  }
0x9a: {  	s5 =	simm.s32 $_size__tile_overlayer_lowered;
	s6 =	simm.s32 $_tile_overlayer_lowered  }
0x9b: {  	s22 =	simm.s32 $0x1BFF;
	s21 =	sshll.u32 s6, $0x1;
	s3 =	sadd.s32 s4, s19  }
0x9c: {  	s7 =	simm.s32 $0x0;
	s20 =	sshll.u32 s5, $0x1;
	s5 =	sadd.s32 s21, s3  }
0x9d: {  	[timem:s7], [sflag:s22] =	dma.local [hbm:s5], s20  }
0x9e: {  	_ =	swait.ge [sflag:s22], s20  }
0x9f: {  	s4 =	ssub.s32 $0x0, s20;
	[sflag:s22] =	ssyncset.done $0x0  }
0xa0: {  	[sflag:s22] =	ssyncadd.s32 s4;
	_ =	sdelay $0x1  }
0xa1: {  	s23 =	simm.s32 $0x1B8B  }
0xa2: {  	_ =	swait.ge [sflag:s23], $0x1  }
0xa3: {  	[sflag:s23] =	ssyncset.done $0x0  }
0xa4: {  	s25 =	simm.s32 $0x1B8E;
	s24 =	sld [smem:$0x3FFE];
	[sflag:s23] =	ssyncadd.s32 $0xFFFFFFFF  }
0xa5: {  	s26 =	simm.s32 $execute0_lowered;
	[smem:$0x3FD2] =	sst s25  }
0xa6: {  	s5 =	sshll.u32 s26, $0x1;
	_ =	strace $0x80000046;
	[dreg:$0x1] =	wrdreg $0xFFFFFFFF  }
0xa7: {  	s28 =	simm.s32 $_size_execute0_lowered;
	s3 =	sadd.s32 s3, s5;
	[dreg:$0x0] =	wrdreg $0x0  }
0xa8: {  	s5 =	sshll.u32 s28, $0x1;
	[dreg:$0x2] =	wrdreg s3  }
0xa9: {  	[dreg:$0x3] =	wrdreg s5  }
0xaa: {  	[dreg:$0x4] =	wrdreg $0xC0  }
0xab: {  	_ =	task [dreg:s7], $0x5FFFF  }
0xac: {  	[dreg:$0x1] =	wrdreg $0xFFFFFFFF  }
0xad: {  	[dreg:$0x0] =	wrdreg $0x60  }
0xae: {  	[dreg:$0x2] =	wrdreg s2  }
0xaf: {  	[dreg:$0x3] =	wrdreg s24  }
0xb0: {  	[dreg:$0x4] =	wrdreg $0x9  }
0xb1: {  	_ =	task.clear_ibuf [dreg:s7], $0x5FFFF;
	_ =	strace $0x90000046  }
0xb2: {  	s29 =	simm.s32 $0x9;
	_ =	strace $0x80000048  }
0xb3: {  	_ =	swait.ge [sflag:s29], $0x1  }
0xb4: {  	[sflag:s29] =	ssyncadd.s32 $0xFFFFFFFF  }
0xb5: {  	_ =	strace $0x90000048  }
0xb6: {  	_ =	sfence  }
0xb7: {  	s30 =	sld [smem:$0x0];
	_ =	sdelay $0x2  }
0xb8: {  	s31 =	sshll.u32 s1, $0xD;
	s1 =	sshrl.u32 s1, $0x2  }
0xb9: {  	s3 =	sand.u32 $0x4000, s31;
	s1 =	sadd.s32 s1, s30  }
0xba: {  	s0 =	sor.u32 s3, s0;
	s1 =	sshll.u32 s1, $0x11  }
0xbb: {  	s0 =	sor.u32 s1, s0  }
0xbc: {  	s0 =	sadd.s32 $0x8F2B, s0  }
0xbd: {  	[sflag:s0] =	ssyncadd.remote.s32 $0x1  }
0xbe: {  	_ =	sfence.sel $0xFFFF  }
0xbf: {  	[dreg:$0x0] =	wrdreg $0xFFFFFFFF;
	(pc) =	sbr.abs _section_cstart, $3  }
0xc0: {  	[dreg:$0x1] =	wrdreg $0xFFFFFFFF  }
0xc1: {  	_ =	task.clear_ibuf [dreg:s7], $0x2FFFF;
	_ =	strace $0x9FFFFFFF  }
0xc2: {  	(tm) =	ssettm $0x7FFFFFFF  }
0xc3: {  	_ =	shalt  }
tec
execute0_lowered:
.L_overlay_start_1:
0x0: {  	(tag) =	ssettag $0x1  }
0x1: {  	s5 =	rddreg [dreg:$0x0]  }
0x2: {  	s4 =	rddreg [dreg:$0x1]  }
0x3: {  	s0 =	rddreg [dreg:$0x2];
	s2 =	simm.s32 $0x0;
	s3 =	srdreg.scid  }
0x4: {  	s1 =	stileid.u32;
	s10 =	simm.s32 $0x5;
	s11 =	simm.s32 $0x6400  }
0x5: {  	s12 =	simm.s32 $0x8400;
	s13 =	simm.s32 $0x1;
	s14 =	simm.s32 $0x40  }
0x6: {  	s15 =	simm.s32 $0x2;
	s16 =	simm.s32 $0x3;
	s17 =	simm.s32 $0x4  }
0x7: {  	s18 =	simm.s32 $0x0;
	[smem:$0x7FF] =	sst s2;
	s6 =	sand.u32 $0x1, s3  }
0x8: {  	s7 =	sshll.u32 s1, $0x8;
	s3 =	sadd.s32 $0xF42E00, s4;
	s8 =	sshll.u32 s6, $0x7  }
0x9: {  	s4 =	sadd.s32 $0xA00, s4;
	s6 =	ssub.s32 $0x2, s6;
	s7 =	sor.u32 s8, s7  }
0xa: {  	_ =	strace $0x80000047;
	s31 =	sshrl.u32 s6, $0x1;
	s9 =	sshrl.u32 s7, $0x3  }
0xb: {  	s8 =	ssub.s32 s6, s31;
	s6 =	smul.u32 $0x6400, s7;
	s5 =	sadd.s32 s5, s9  }
0xc: {  	s7 =	smax.u32 s8, $0x1;
	s8 =	simm.s32 $0x80;
	s9 =	simm.s32 $0x1000  }
.LBB2_1:
0xd: {  	[tilespmem:s2], [sflag:$0x5] =	stream.strided.gather [hbm4b:s5+s8], $0x6400, s9, s8, $0x38;
	[tilespmem:$0xA400] =	vst v63  }
0xe: {  	_ =	swait.ge [sflag:s10], $0x6400  }
0xf: {  	[sflag:s10] =	ssyncset.done $0x0  }
0x10: {  	s20 =	simm.s32 $0x0;
	[sflag:s10] =	ssyncadd.s32 $0xFFFF9C00  }
0x11: {  	[tilespmem:s11], [sflag:$0x1] =	stream.indirect.gather [hbm4b:s3+s8], $0x40, s2, s8, $0xb8;
	[tilespmem:$0xA400] =	vst v63  }
.LBB2_2:
0x12: {  	p0 =	seq.s32 s20, $0x0  }
0x13: {  	s19 =	simm.s32 @!p0 $0x4  }
0x14: {  	_ =	swait.ge @!p0 [sflag:s19], $0x2000  }
0x15: {  	s21 =	sshll.u32 s20, $0x8;
	[sflag:s19] =	ssyncset.done @!p0 $0x0  }
0x16: {  	[sflag:s19] =	ssyncadd.s32 @!p0 $0xFFFFE000;
	s19 =	sor.u32 $0x80, s21  }
0x17: {  	[tilespmem:s12], [sflag:$0x2] =	stream.indirect.gather [hbm4b:s3+s8], $0x40, s19, s8, $0xb8;
	[tilespmem:$0xA400] =	vst v63  }
0x18: {  	_ =	swait.ge [sflag:s13], $0x2000  }
0x19: {  	[sflag:s13] =	ssyncset.done $0x0  }
0x1a: {  	s22 =	simm.s32 $0x0;
	[sflag:s13] =	ssyncadd.s32 $0xFFFFE000  }
0x1b: {  	v0 =	vld [tilespmem:s22+$0x6400]  }
0x1c: {  	v2 =	vld [tilespmem:s22+$0x6410]  }
0x1d: {  	s23 =	simm.s32 $0x100;
	v1 =	vld [tilespmem:s22+$0x6420]  }
.LBB2_3:
0x1e: {  	p0 =	sne.s32 s23, $0x7F00;
	v3 =	vld [tilespmem:s22+$0x6430];
	_ =	sdelay $0x1  }
0x1f: {  	v0 =	vmul.f32 $8.000000000e+00, v0  }
.Ltmp0:
0x20: {  	v2 =	vmul.f32 $8.000000000e+00, v2;
	(pc) =	sbr.rel @p0 .LBB2_3-.Ltmp0, $4  }
0x21: {  	s24 =	sshra.s32 s23, $0x2;
	[tilespmem:s22+$0x6400] =	vst v0;
	v1 =	vmul.f32 $8.000000000e+00, v1  }
0x22: {  	v0 =	vld [tilespmem:s24+$0x6400];
	[tilespmem:s22+$0x6410] =	vst v2;
	v3 =	vmul.f32 $8.000000000e+00, v3  }
0x23: {  	v2 =	vld [tilespmem:s24+$0x6410];
	[tilespmem:s22+$0x6420] =	vst v1  }
0x24: {  	s23 =	sadd.s32 $0x100, s23;
	v1 =	vld [tilespmem:s24+$0x6420];
	[tilespmem:s22+$0x6430] =	vst v3;
	s22 =	smov.u32 s24  }
0x25: {  	v3 =	vld [tilespmem:s22+$0x6430];
	_ =	sdelay $0x1  }
0x26: {  	v0 =	vmul.f32 $8.000000000e+00, v0  }
0x27: {  	v2 =	vmul.f32 $8.000000000e+00, v2  }
0x28: {  	[tilespmem:s22+$0x6400] =	vst v0;
	v0 =	vmul.f32 $8.000000000e+00, v1  }
0x29: {  	s21 =	sor.u32 s6, s21;
	[tilespmem:s22+$0x6410] =	vst v2;
	v1 =	vmul.f32 $8.000000000e+00, v3  }
0x2a: {  	s21 =	sshrl.u32 s21, $0x3;
	[tilespmem:s22+$0x6420] =	vst v0  }
0x2b: {  	p0 =	seq.s32 s20, $0x63;
	s21 =	sadd.s32 s4, s21;
	[tilespmem:s22+$0x6430] =	vst v1  }
0x2c: {  	[hbm4b:s21+s14] =	stream.strided.scatter [tilespmem:s11], [sflag:$0x3], $0x2000, s11, s14, $0x38;
	[tilespmem:$0xA400] =	vst v63  }
0x2d: {  	s21 =	simm.s32 @!p0 $0x3  }
0x2e: {  	_ =	swait.ge @!p0 [sflag:s21], $0x2000  }
0x2f: {  	s22 =	sshll.u32 @!p0 s20, $0x8;
	[sflag:s21] =	ssyncset.done @!p0 $0x0  }
0x30: {  	[sflag:s21] =	ssyncadd.s32 @!p0 $0xFFFFE000;
	s21 =	sand.u32 @!p0 $0x3FFFFF00, s22  }
0x31: {  	s23 =	simm.s32 @!p0 $0x6400;
	s22 =	simm.s32 @!p0 $0x80;
	s21 =	sadd.s32 @!p0 $0x100, s21  }
0x32: {  	[tilespmem:s23], [sflag:$0x1] =	stream.indirect.gather @!p0 [hbm4b:s3+s22], $0x40, s21, s22, $0xb8;
	[tilespmem:$0xA400] =	vst v63  }
0x33: {  	_ =	swait.ge [sflag:s15], $0x2000  }
0x34: {  	[sflag:s15] =	ssyncset.done $0x0  }
0x35: {  	s21 =	simm.s32 $0x0;
	[sflag:s15] =	ssyncadd.s32 $0xFFFFE000  }
0x36: {  	v0 =	vld [tilespmem:s21+$0x8400]  }
0x37: {  	v2 =	vld [tilespmem:s21+$0x8410]  }
0x38: {  	s20 =	sadd.s32 $0x1, s20;
	s22 =	simm.s32 $0x100;
	v1 =	vld [tilespmem:s21+$0x8420]  }
.LBB2_5:
0x39: {  	p0 =	sne.s32 s22, $0x7F00;
	v3 =	vld [tilespmem:s21+$0x8430];
	_ =	sdelay $0x1  }
0x3a: {  	v0 =	vmul.f32 $8.000000000e+00, v0  }
.Ltmp1:
0x3b: {  	v2 =	vmul.f32 $8.000000000e+00, v2;
	(pc) =	sbr.rel @p0 .LBB2_5-.Ltmp1, $4  }
0x3c: {  	s23 =	sshra.s32 s22, $0x2;
	[tilespmem:s21+$0x8400] =	vst v0;
	v1 =	vmul.f32 $8.000000000e+00, v1  }
0x3d: {  	v0 =	vld [tilespmem:s23+$0x8400];
	[tilespmem:s21+$0x8410] =	vst v2;
	v3 =	vmul.f32 $8.000000000e+00, v3  }
0x3e: {  	v2 =	vld [tilespmem:s23+$0x8410];
	[tilespmem:s21+$0x8420] =	vst v1  }
0x3f: {  	s22 =	sadd.s32 $0x100, s22;
	v1 =	vld [tilespmem:s23+$0x8420];
	[tilespmem:s21+$0x8430] =	vst v3;
	s21 =	smov.u32 s23  }
0x40: {  	v3 =	vld [tilespmem:s21+$0x8430];
	_ =	sdelay $0x1  }
0x41: {  	v0 =	vmul.f32 $8.000000000e+00, v0  }
0x42: {  	p0 =	sne.s32 s20, $0x64;
	v2 =	vmul.f32 $8.000000000e+00, v2  }
.Ltmp2:
0x43: {  	[tilespmem:s21+$0x8400] =	vst v0;
	v62 =	vmul.f32 $8.000000000e+00, v1;
	(pc) =	sbr.rel @p0 .LBB2_2-.Ltmp2, $4  }
0x44: {  	s19 =	sor.u32 s6, s19;
	[tilespmem:s21+$0x8410] =	vst v2;
	v63 =	vmul.f32 $8.000000000e+00, v3  }
0x45: {  	s19 =	sshrl.u32 s19, $0x3;
	[tilespmem:s21+$0x8420] =	vst v62  }
0x46: {  	s19 =	sadd.s32 s4, s19;
	[tilespmem:s21+$0x8430] =	vst v63  }
0x47: {  	[hbm4b:s19+s14] =	stream.strided.scatter [tilespmem:s12], [sflag:$0x4], $0x2000, s11, s14, $0x38;
	[tilespmem:$0xA400] =	vst v63  }
0x48: {  	s18 =	sadd.s32 $0x1, s18  }
0x49: {  	_ =	swait.ge [sflag:s16], $0x2000;
	p0 =	sne.s32 s18, s7  }
.Ltmp3:
0x4a: {  	[sflag:s16] =	ssyncset.done $0x0;
	(pc) =	sbr.rel @p0 .LBB2_1-.Ltmp3, $4  }
0x4b: {  	[sflag:s16] =	ssyncadd.s32 $0xFFFFE000  }
0x4c: {  	_ =	swait.ge [sflag:s17], $0x2000  }
0x4d: {  	[sflag:s17] =	ssyncset.done $0x0  }
0x4e: {  	[sflag:s17] =	ssyncadd.s32 $0xFFFFE000  }
0x4f: {  	_ =	sfence.sel $0x180000  }
0x50: {  	[bflag:$0x0] =	sbarrier.arrive $0xFFFF  }
0x51: {  	p0 =	sne.s32 s1, $0x0;
	_ =	strace $0x90000047  }
0x52: {  	s0 =	sadd.s32 @!p0 $0x100000, s0;
	[bflag:$0x2] =	sbarrier.arrive $0xFFFF  }
0x53: {  	[sflag:s0] =	ssyncadd.tile.s32 @!p0 $0x1;
	_ =	shalt  }
.Lfunc_end2:
_tile_overlayer_lowered:
.L_overlay_start_2:
0x54: {  	(tag) =	ssettag $0x2  }
0x55: {  	s0 =	rddreg [dreg:$0x0];
	s2 =	stileid.u32  }
0x56: {  	s1 =	rddreg [dreg:$0x1];
	p0 =	sne.s32 s2, $0x0  }
0x57: {  	s3 =	rddreg [dreg:$0x2];
	[bflag:$0x3] =	sbarrier.arrive $0xFFFF;
	s2 =	simm.s32 @!p0 $0x1C05  }
0x58: {  	[timem:s3], [sflag:s2] =	dma.local @!p0 [hbm:s0], s1  }
0x59: {  	s0 =	simm.s32 @!p0 $0x5  }
0x5a: {  	_ =	swait.ge @!p0 [sflag:s0], s1  }
0x5b: {  	s1 =	ssub.s32 @!p0 $0x0, s1;
	[sflag:s0] =	ssyncset.done @!p0 $0x0  }
0x5c: {  	[sflag:s0] =	ssyncadd.s32 @!p0 s1  }
0x5d: {  	[bflag:$0x3] =	sbarrier.arrive $0xFFFF  }
0x5e: {  	_ =	shalt  }

// kernel: sparse-core-data-format-call.cloned.1.call-start
scs
called_computation_lowered:
.L_overlay_start_0:
0x0: {  	s2 =	sld [smem:$0x3FD9]  }
0x1: {  	s3 =	sld [smem:$0x3FFE];
	_ =	sdelay $0x1  }
0x2: {  	s1 =	srdreg.scid  }
0x3: {  	s0 =	sand.u32 $0x1, s1  }
0x4: {  	s18 =	sshll.u32 s0, $0xA;
	s2 =	sadd.s32 s3, s2  }
0x5: {  	s2 =	sadd.s32 s2, s18  }
0x6: {  	[smem:$0x3FC6] =	sst s2  }
0x7: {  	_ = 	snop  }
0x8: {  	s2 =	sld [smem:$0x3FD0];
	(tm) =	ssettm $0x1  }
0x9: {  	s19 =	sld [smem:$0x3FFB];
	_ =	sdelay $0x3  }
0xa: {  	_ =	strace s19  }
0xb: {  	s3 =	sld [smem:$0x3FFC];
	_ =	sdelay $0x3  }
0xc: {  	_ =	strace s3  }
0xd: {  	s3 =	sld [smem:$0x3FFD];
	_ =	sdelay $0x3  }
0xe: {  	_ =	strace s3  }
0xf: {  	_ =	strace $0x8FFFFFFF  }
0x10: {  	s20 =	sld [smem:$0x3FDB];
	_ =	sdelay $0x1  }
0x11: {  	s4 =	simm.s32 $_scs_section_size  }
0x12: {  	s5 =	simm.s32 $_size__tile_overlayer_lowered;
	s6 =	simm.s32 $_tile_overlayer_lowered  }
0x13: {  	s23 =	simm.s32 $0x1BFF;
	s22 =	sshll.u32 s6, $0x1;
	s3 =	sadd.s32 s4, s20  }
0x14: {  	s7 =	simm.s32 $0x0;
	s21 =	sshll.u32 s5, $0x1;
	s5 =	sadd.s32 s22, s3  }
0x15: {  	[timem:s7], [sflag:s23] =	dma.local [hbm:s5], s21  }
0x16: {  	_ =	swait.ge [sflag:s23], s21  }
0x17: {  	s4 =	ssub.s32 $0x0, s21;
	[sflag:s23] =	ssyncset.done $0x0  }
0x18: {  	[sflag:s23] =	ssyncadd.s32 s4;
	_ =	sdelay $0x1  }
0x19: {  	s24 =	simm.s32 $0x1B8B  }
0x1a: {  	_ =	swait.ge [sflag:s24], $0x1  }
0x1b: {  	[sflag:s24] =	ssyncset.done $0x0  }
0x1c: {  	s26 =	simm.s32 $0x1B8E;
	s25 =	sld [smem:$0x3FFE];
	[sflag:s24] =	ssyncadd.s32 $0xFFFFFFFF  }
0x1d: {  	s27 =	simm.s32 $execute0_lowered;
	[smem:$0x3FD2] =	sst s26  }
0x1e: {  	s5 =	sshll.u32 s27, $0x1;
	_ =	strace $0x80000049;
	[dreg:$0x1] =	wrdreg $0xFFFFFFFF  }
0x1f: {  	s28 =	simm.s32 $_size_execute0_lowered;
	s3 =	sadd.s32 s3, s5;
	[dreg:$0x0] =	wrdreg $0x0  }
0x20: {  	s5 =	sshll.u32 s28, $0x1;
	[dreg:$0x2] =	wrdreg s3  }
0x21: {  	[dreg:$0x3] =	wrdreg s5  }
0x22: {  	[dreg:$0x4] =	wrdreg $0xC0  }
0x23: {  	_ =	task [dreg:s7], $0x5FFFF  }
0x24: {  	[dreg:$0x1] =	wrdreg $0xFFFFFFFF  }
0x25: {  	[dreg:$0x0] =	wrdreg $0x60  }
0x26: {  	[dreg:$0x2] =	wrdreg s25  }
0x27: {  	[dreg:$0x3] =	wrdreg s2  }
0x28: {  	[dreg:$0x4] =	wrdreg $0x9  }
0x29: {  	_ =	task.clear_ibuf [dreg:s7], $0x5FFFF;
	_ =	strace $0x90000049  }
0x2a: {  	s29 =	simm.s32 $0x9;
	_ =	strace $0x8000004B  }
0x2b: {  	_ =	swait.ge [sflag:s29], $0x1  }
0x2c: {  	[sflag:s29] =	ssyncadd.s32 $0xFFFFFFFF  }
0x2d: {  	_ =	strace $0x9000004B  }
0x2e: {  	_ =	sfence  }
0x2f: {  	s30 =	sld [smem:$0x0];
	_ =	sdelay $0x2  }
0x30: {  	s31 =	sshll.u32 s1, $0xD;
	s1 =	sshrl.u32 s1, $0x2  }
0x31: {  	s3 =	sand.u32 $0x4000, s31;
	s1 =	sadd.s32 s1, s30  }
0x32: {  	s0 =	sor.u32 s3, s0;
	s1 =	sshll.u32 s1, $0x11  }
0x33: {  	s0 =	sor.u32 s1, s0  }
0x34: {  	s0 =	sadd.s32 $0x8F2B, s0  }
0x35: {  	[sflag:s0] =	ssyncadd.remote.s32 $0x1  }
0x36: {  	_ =	sfence.sel $0xFFFF  }
0x37: {  	[dreg:$0x0] =	wrdreg $0xFFFFFFFF;
	(pc) =	sbr.abs _section_cstart, $3  }
0x38: {  	[dreg:$0x1] =	wrdreg $0xFFFFFFFF  }
0x39: {  	_ =	task.clear_ibuf [dreg:s7], $0x2FFFF;
	_ =	strace $0x9FFFFFFF  }
0x3a: {  	(tm) =	ssettm $0x7FFFFFFF  }
0x3b: {  	_ =	shalt  }
tec
execute0_lowered:
.L_overlay_start_1:
0x0: {  	(tag) =	ssettag $0x1  }
0x1: {  	s0 =	srdreg.scid  }
0x2: {  	s1 =	sshll.u32 s0, $0x4  }
0x3: {  	s0 =	stileid.u32;
	s1 =	sand.u32 $0x10, s1  }
0x4: {  	s1 =	sor.u32 s0, s1  }
0x5: {  	s6 =	rddreg [dreg:$0x0];
	s4 =	simm.s32 $0x1;
	s2 =	sshll.u32 s1, $0x7  }
0x6: {  	s7 =	simm.s32 $0x2;
	s12 =	simm.s32 $0x0;
	s1 =	ssub.s32 $0x1000, s2  }
0x7: {  	s8 =	simm.s32 $0x8000;
	s13 =	simm.s32 $0x0;
	s3 =	sand.u32 $0xF80, s1  }
0x8: {  	s9 =	simm.s32 $0x0;
	s5 =	sshrl.u32 s1, $0xC;
	p0 =	sne.s32 s3, $0x0  }
.Ltmp0:
0x9: {  	s1 =	rddreg [dreg:$0x2];
	s4 =	simm.s32 @!p0 $0x0;
	(pc) =	sbr.rel .LBB1_1-.Ltmp0, $4  }
0xa: {  	s11 =	simm.s32 $0x0;
	s3 =	rddreg [dreg:$0x1];
	s5 =	sadd.s32 s4, s5  }
0xb: {  	_ =	strace $0x8000004A;
	s4 =	simm.s32 $0x1;
	s5 =	smul.u32 $0xC8, s5  }
0xc: {  	s6 =	sadd.s32 $0xA00, s6;
	s10 =	smov.u32 s2;
	[sflag:s4] =	ssyncpa.u1 $0x0  }
0xd: {  	p0 =	por $0x0, $0x0;
	[sflag:s7] =	ssyncpa.u1 $0x0;
	s7 =	sor.u32 $0x1, s5  }
.LBB1_4:
0xe: {  	s16 =	sshll.u32 s13, $0x3;
	s17 =	sand.u32 $0x78, s13  }
0xf: {  	s30 =	sand.u32 $0x7E00, s13;
	s12 =	sshll.u32 s12, $0xF;
	s16 =	sand.u32 $0xC00, s16  }
0x10: {  	[tilespmem:s15+$0x810 ss:$0x81] =	vst.msk $0xffff, v2;
	s31 =	sand.u32 $0x7, s13;
	s16 =	sor.u32 s17, s16;
	s17 =	sadd.s32 s3, s30  }
0x11: {  	[tilespmem:s15+$0x1020 ss:$0x81] =	vst.msk $0xffff, v0;
	s13 =	sshll.u32 s31, $0x12;
	s12 =	sadd.s32 s12, s17;
	s16 =	sshrl.u32 s16, $0x3  }
0x12: {  	[tilespmem:s15+$0x0 ss:$0x81] =	vst.msk $0xffff, v1;
	s13 =	sor.u32 $0x400, s13;
	s12 =	sadd.s32 s16, s12  }
0x13: {  	[hbm4b:s12+s13] =	stream.strided.scatter [tilespmem:s14], [sflag:$0x2], $0x2000, s8, s13, $0x20;
	[tilespmem:$0x8080] =	vst v63  }
.LBB1_5:
0x14: {  	s14 =	sadd.s32 $0x1, s9  }
0x15: {  	s12 =	sadd.s32 $0x1000, s10;
	s16 =	smov.u32 s10;
	p2 =	sgt.s32 s14, $0xC7  }
0x16: {  	s16 =	smov.u32 @p2 s12  }
0x17: {  	s14 =	simm.s32 @p2 $0x0;
	p2 =	sgt.s32 s16, $0xFFF  }
0x18: {  	s16 =	smov.u32 @p2 s2;
	p2 =	sne.s32 s11, s7  }
.Ltmp1:
0x19: {  	p1 =	slt.u32 s11, $0x2;
	(pc) =	sbr.rel @!p2 .LBB1_6-.Ltmp1, $4  }
0x1a: {  	s15 =	simm.s32 @!p1 $0x2  }
0x1b: {  	s13 =	smov.u32 s10;
	p0 =	por !p0, !p0;
	_ =	swait.ge @!p1 [sflag:s15], $0x2000  }
0x1c: {  	s12 =	smov.u32 s9;
	[sflag:s15] =	ssyncset.done @!p1 $0x0;
	s9 =	smov.u32 s14  }
0x1d: {  	s11 =	sadd.s32 $0x1, s11;
	[sflag:s15] =	ssyncadd.s32 @!p1 $0xFFFFE000;
	s10 =	smov.u32 s16  }
.LBB1_1:
0x1e: {  	p1 =	sge.u32 s11, s5  }
0x1f: {  	s14 =	sand.u32 @!p1 $0x1FFFFFF, s9  }
0x20: {  	s15 =	smulhi.u32 @!p1 $0x147AE15, s14;
	_ =	sdelay $0x1  }
0x21: {  	s15 =	smul.u32 @!p1 $0xC8, s15  }
0x22: {  	s16 =	sxor.u32 @!p1 $0xFFFFFFFF, s11;
	s17 =	smul.u32 @!p1 $0xC80, s10  }
0x23: {  	s31 =	sadd.s32 $0xFFFFFFFF, s11;
	s16 =	sshll.u32 @!p1 s16, $0xD;
	s14 =	ssub.s32 @!p1 s14, s15  }
0x24: {  	s15 =	sand.u32 @!p1 $0x2000, s16;
	s16 =	sadd.s32 @!p1 s6, s17;
	s14 =	sshll.u32 @!p1 s14, $0x4  }
0x25: {  	s17 =	simm.s32 @!p1 $0x6400;
	s14 =	sadd.s32 @!p1 s14, s16;
	s16 =	simm.s32 @!p1 $0x40  }
0x26: {  	[tilespmem:s15], [sflag:$0x1] =	stream.strided.gather @!p1 [hbm4b:s14+s16], $0x2000, s17, s16, $0x38;
	[tilespmem:$0x8080] =	vst v63  }
0x27: {  	p1 =	sge.u32 s31, s5  }
.Ltmp2:
0x28: {  	_ = 	snop;
	(pc) =	sbr.rel @p1 .LBB1_5-.Ltmp2, $1  }
0x29: {  	_ =	sdelay $0x3  }
0x2a: {  	s14 =	simm.s32 $0x1  }
0x2b: {  	_ =	swait.ge [sflag:s4], $0x2000;
	s14 =	simm.s32 @!p0 $0x0  }
0x2c: {  	[sflag:s4] =	ssyncset.done $0x0;
	s15 =	sshll.u32 s14, $0xD  }
0x2d: {  	[sflag:s4] =	ssyncadd.s32 $0xFFFFE000;
	s18 =	sor.u32 $0x20, s15  }
0x2e: {  	s14 =	smul.u32 $0x8100, s14;
	v3 =	vld [tilespmem:s18+$0x10]  }
0x2f: {  	s30 =	sand.u32 $0x1, s11;
	v2 =	vld [tilespmem:s18+$0xFFFFFFF0]  }
0x30: {  	s15 =	smul.u32 $0x8100, s30;
	s14 =	sshrl.u32 s14, $0x2;
	v0 =	vld [tilespmem:s18+$0x0]  }
0x31: {  	v1 =	vld [tilespmem:s18+$0xFFFFFFE0];
	s16 =	sor.u32 $0x4000, s14  }
0x32: {  	s31 =	sshrl.u32 s15, $0x2;
	s15 =	sadd.s32 $0x0, s16  }
0x33: {  	s17 =	simm.s32 $0x4;
	s18 =	sadd.s32 $0x40, s18;
	s14 =	sor.u32 $0x4000, s31;
	[tilespmem:s15+$0x1830 ss:$0x81] =	vst.msk $0xffff, v3  }
.LBB1_3:
0x34: {  	v3 =	vld [tilespmem:s18+$0x10];
	p1 =	sne.s32 s17, $0x1FC;
	[tilespmem:s15+$0x810 ss:$0x81] =	vst.msk $0xffff, v2;
	s19 =	smov.u32 s17;
	s17 =	sadd.s32 $0x4, s17  }
.Ltmp3:
0x35: {  	v2 =	vld [tilespmem:s18+$0xFFFFFFF0];
	[tilespmem:s15+$0x1020 ss:$0x81] =	vst.msk $0xffff, v0;
	(pc) =	sbr.rel @p1 .LBB1_3-.Ltmp3, $4  }
0x36: {  	v0 =	vld [tilespmem:s18+$0x0];
	[tilespmem:s15+$0x0 ss:$0x81] =	vst.msk $0xffff, v1  }
0x37: {  	s15 =	sshra.s32 s19, $0x2;
	v1 =	vld [tilespmem:s18+$0xFFFFFFE0]  }
0x38: {  	s15 =	sadd.s32 s15, s16  }
0x39: {  	s18 =	sadd.s32 $0x40, s18;
	[tilespmem:s15+$0x1830 ss:$0x81] =	vst.msk $0xffff, v3  }
.Ltmp4:
0x3a: {  	_ = 	snop;
	(pc) =	sbr.rel .LBB1_4-.Ltmp4, $1  }
0x3b: {  	_ =	sdelay $0x3  }
.LBB1_6:
0x3c: {  	_ =	sfence.sel $0x180000  }
0x3d: {  	s2 =	simm.s32 $0x1;
	[bflag:$0x0] =	sbarrier.arrive $0xFFFF  }
0x3e: {  	s31 =	simm.s32 $0x2;
	[sflag:s2] =	ssyncpa.u1 $0x1  }
0x3f: {  	[sflag:s31] =	ssyncpa.u1 $0x1  }
0x40: {  	p0 =	sne.s32 s0, $0x0;
	_ =	strace $0x9000004A  }
0x41: {  	s0 =	sadd.s32 @!p0 $0x100000, s1;
	[bflag:$0x2] =	sbarrier.arrive $0xFFFF  }
0x42: {  	[sflag:s0] =	ssyncadd.tile.s32 @!p0 $0x1;
	_ =	shalt  }
.Lfunc_end1:
_tile_overlayer_lowered:
.L_overlay_start_2:
0x43: {  	(tag) =	ssettag $0x2  }
0x44: {  	s0 =	rddreg [dreg:$0x0];
	s2 =	stileid.u32  }
0x45: {  	s1 =	rddreg [dreg:$0x1];
	p0 =	sne.s32 s2, $0x0  }
0x46: {  	s3 =	rddreg [dreg:$0x2];
	[bflag:$0x3] =	sbarrier.arrive $0xFFFF;
	s2 =	simm.s32 @!p0 $0x1C01  }
0x47: {  	[timem:s3], [sflag:s2] =	dma.local @!p0 [hbm:s0], s1  }
0x48: {  	s0 =	simm.s32 @!p0 $0x1  }
0x49: {  	_ =	swait.ge @!p0 [sflag:s0], s1  }
0x4a: {  	s1 =	ssub.s32 @!p0 $0x0, s1;
	[sflag:s0] =	ssyncset.done @!p0 $0x0  }
0x4b: {  	[sflag:s0] =	ssyncadd.s32 @!p0 s1  }
0x4c: {  	[bflag:$0x3] =	sbarrier.arrive $0xFFFF  }
0x4d: {  	_ =	shalt  }

</sc_bundles>
